<compile_context>
chip_gen: v7x
topology: tpu7x:2x2x1
jax: 0.10.2.dev20260603
libtpu: 0.0.44.dev20260713+nightly
codegen_flags: <defaults>
</compile_context>

<pallas_src>
import functools

import jax
import jax.numpy as jnp
from jax import lax
from jax.experimental import pallas as pl
from jax.experimental.pallas import tpu as pltpu
from jax.experimental.pallas import tpu_sc as plsc

_BM = 400
_CHUNK = 40000
_NCH = 15
_PERW = 625_000
_UNROLL = 8


def _tc_probe(adj_ref, out_ref):
    deg = jnp.sum(adj_ref[...], axis=1, keepdims=True)
    out_ref[...] = jnp.broadcast_to(deg, out_ref.shape)


def _sc_probe(adj_hbm, out_hbm, buf, acc_ref, sem):
    c = lax.axis_index("c")
    s = lax.axis_index("s")
    wid = s * 2 + c
    base = 80_000_000 + wid * _PERW

    def outer(i, accs):
        off = pl.multiple_of(base + i * _CHUNK, 8)
        pltpu.async_copy(adj_hbm.at[pl.ds(off, _CHUNK)], buf, sem).wait()

        def inner(j, a):
            base_j = j * (16 * _UNROLL)
            return tuple(
                a[u] + buf[pl.ds(base_j + u * 16, 16)]
                for u in range(_UNROLL)
            )

        return lax.fori_loop(0, _CHUNK // (16 * _UNROLL), inner, accs)

    accs = lax.fori_loop(
        0, _NCH, outer,
        tuple(jnp.zeros((16,), jnp.float32) for _ in range(_UNROLL)))
    total = accs[0]
    for u in range(1, _UNROLL):
        total = total + accs[u]
    acc_ref[...] = total
    pltpu.sync_copy(acc_ref, out_hbm.at[wid])


@functools.partial(jax.jit, static_argnames=())
def kernel(X, adj, W, b):
    n = X.shape[0]
    n_tc = 8000
    tc_out = pl.pallas_call(
        _tc_probe,
        grid=(n_tc // _BM,),
        in_specs=[pl.BlockSpec((_BM, n), lambda i: (i, 0))],
        out_specs=pl.BlockSpec((_BM, 128), lambda i: (i, 0)),
        out_shape=jax.ShapeDtypeStruct((n_tc, 128), jnp.float32),
    )(adj)
    mesh = plsc.VectorSubcoreMesh(core_axis_name="c", subcore_axis_name="s")
    sc_out = functools.partial(
        pl.kernel, _sc_probe, mesh=mesh,
        out_type=jax.ShapeDtypeStruct((32, 16), jnp.float32),
        scratch_types=[
            pltpu.VMEM((_CHUNK,), jnp.float32),
            pltpu.VMEM((16,), jnp.float32),
            pltpu.SemaphoreType.DMA,
        ],
    )()(adj.reshape(-1))
    out = jnp.zeros((n, 128), jnp.float32)
    out = out.at[:n_tc].set(tc_out)
    return out.at[:32, :16].add(sc_out)

# --- scband reference (transcript-rebuilt; emitter-appended) ---
"""Pipeline reference for scband-graph-sagelayer-78451872628893 (READ-ONLY COPY).

The authoritative reference and input builder live on the scoring server;
editing this copy changes nothing except your own understanding.
"""

import jax, jax.numpy as jnp
import numpy as np

N = 10000
D_IN = 128
D_OUT = 128


def setup_inputs(seed: int = 0) -> dict:
    key = jax.random.key(seed)
    k1, k2, k3, k4 = jax.random.split(key, 4)
    X = jax.random.normal(k1, (N, D_IN), dtype=jnp.float32)
    # Binary adjacency with avg degree ~32 (thresholded uniform per spec fill='rand')
    adj = (jax.random.uniform(k2, (N, N), dtype=jnp.float32) < 0.0032).astype(jnp.float32)
    # Linear layer params: W maps concat(2*D_IN) -> D_OUT (torch nn.Linear layout [out, in])
    W = jax.random.normal(k3, (D_OUT, 2 * D_IN), dtype=jnp.float32) * 0.05
    b = jax.random.normal(k4, (D_OUT,), dtype=jnp.float32) * 0.01
    return {"X": X, "adj": adj, "W": W, "b": b}


def reference(X, adj, W, b):
    # GraphSAGE mean aggregation (eval mode: dense, non-sampled path)
    n = X.shape[0]
    adj_with_self = adj + jnp.eye(n, dtype=adj.dtype)
    degree = jnp.clip(jnp.sum(adj_with_self, axis=1, keepdims=True), 1.0, None)
    h_neigh = (adj_with_self @ X) / degree
    # Update: W @ concat(h_v, h_N(v)) + b
    concat = jnp.concatenate([X, h_neigh], axis=1)
    z = concat @ W.T + b
    # activation=True: relu then L2 normalize (F.normalize, p=2, dim=1, eps=1e-12)
    out = jax.nn.relu(z)
    norm = jnp.clip(jnp.linalg.norm(out, axis=1, keepdims=True), 1e-12, None)
    out = out / norm
    return out

if __name__ == "__main__":
    import jax
    _d = setup_inputs()
    print(jax.jit(kernel)(*tuple(_d.values())))

</pallas_src>

<mosaic_0001>
#map = affine_map<(d0, d1) -> (0)>
#map1 = affine_map<(d0, d1) -> (0, 0)>
module attributes {stable_mosaic.version = 14 : i64} {
  func.func @_sc_probe(%arg0: i32, %arg1: i32, %arg2: memref<100000000xf32, #tpu.memory_space<hbm>>, %arg3: memref<32x16xf32, #tpu.memory_space<hbm>>, %arg4: memref<40000xf32, #tpu.memory_space<vmem>>, %arg5: memref<16xf32, #tpu.memory_space<vmem>>, %arg6: memref<!tpu.dma_semaphore, #tpu.memory_space<semaphore_mem>>) attributes {dimension_semantics = [#tpu.dimension_semantics<core_parallel>, #tpu.dimension_semantics<subcore_parallel>], iteration_bounds = array<i64: 2, 16>, scalar_prefetch = 0 : i64, scratch_operands = 3 : i64, tpu.core_type = #tpu.core_type<sc_vector_subcore>, window_params = [{transform_indices = #map}, {transform_indices = #map1}]} {
    %mul3A = arith.constant 2 : i32
    %mul3A_0 = arith.muli %arg1, %mul3A : i32
    %add3A = arith.addi %mul3A_0, %arg0 : i32
    %mul3A_1 = arith.constant 625000 : i32
    %mul3A_2 = arith.muli %add3A, %mul3A_1 : i32
    %add3A_3 = arith.constant 80000000 : i32
    %add3A_4 = arith.addi %add3A_3, %mul3A_2 : i32
    %broadcast_in_dim3A = arith.constant 0.000000e+00 : f32
    %broadcast_in_dim3A_5 = vector.broadcast %broadcast_in_dim3A : f32 to vector<16xf32>
    %broadcast_in_dim3A_6 = arith.constant 0.000000e+00 : f32
    %broadcast_in_dim3A_7 = vector.broadcast %broadcast_in_dim3A_6 : f32 to vector<16xf32>
    %broadcast_in_dim3A_8 = arith.constant 0.000000e+00 : f32
    %broadcast_in_dim3A_9 = vector.broadcast %broadcast_in_dim3A_8 : f32 to vector<16xf32>
    %broadcast_in_dim3A_10 = arith.constant 0.000000e+00 : f32
    %broadcast_in_dim3A_11 = vector.broadcast %broadcast_in_dim3A_10 : f32 to vector<16xf32>
    %broadcast_in_dim3A_12 = arith.constant 0.000000e+00 : f32
    %broadcast_in_dim3A_13 = vector.broadcast %broadcast_in_dim3A_12 : f32 to vector<16xf32>
    %broadcast_in_dim3A_14 = arith.constant 0.000000e+00 : f32
    %broadcast_in_dim3A_15 = vector.broadcast %broadcast_in_dim3A_14 : f32 to vector<16xf32>
    %broadcast_in_dim3A_16 = arith.constant 0.000000e+00 : f32
    %broadcast_in_dim3A_17 = vector.broadcast %broadcast_in_dim3A_16 : f32 to vector<16xf32>
    %broadcast_in_dim3A_18 = arith.constant 0.000000e+00 : f32
    %broadcast_in_dim3A_19 = vector.broadcast %broadcast_in_dim3A_18 : f32 to vector<16xf32>
    %scan3A = arith.constant 0 : i32
    %scan3A_20 = arith.constant 15 : i32
    %scan3A_21 = arith.addi %scan3A, %scan3A_20 : i32
    %scan3A_22 = arith.constant 1 : i32
    %scan3A_23:8 = scf.for %scan3A_35 = %scan3A to %scan3A_21 step %scan3A_22 iter_args(%scan3A_36 = %broadcast_in_dim3A_5, %scan3A_37 = %broadcast_in_dim3A_7, %scan3A_38 = %broadcast_in_dim3A_9, %scan3A_39 = %broadcast_in_dim3A_11, %scan3A_40 = %broadcast_in_dim3A_13, %scan3A_41 = %broadcast_in_dim3A_15, %scan3A_42 = %broadcast_in_dim3A_17, %scan3A_43 = %broadcast_in_dim3A_19) -> (vector<16xf32>, vector<16xf32>, vector<16xf32>, vector<16xf32>, vector<16xf32>, vector<16xf32>, vector<16xf32>, vector<16xf32>)  : i32 {
      %mul3A_44 = arith.constant 40000 : i32
      %mul3A_45 = arith.muli %scan3A_35, %mul3A_44 : i32
      %add3A_46 = arith.addi %add3A_4, %mul3A_45 : i32
      %multiple_of3A = tpu.assume_multiple %add3A_46, 8 : i32
      %dma_start3A = tpu.memref_slice %arg2[%multiple_of3A] : memref<100000000xf32, #tpu.memory_space<hbm>> -> memref<40000xf32, #tpu.memory_space<hbm>>
      %dma_start3A_47 = tpu.memref_slice %arg2[%multiple_of3A] : memref<100000000xf32, #tpu.memory_space<hbm>> -> memref<40000xf32, #tpu.memory_space<hbm>>
      tpu.enqueue_dma source(%dma_start3A_47 : memref<40000xf32, #tpu.memory_space<hbm>>) target(%arg4 : memref<40000xf32, #tpu.memory_space<vmem>>) target_semaphore(%arg6 : memref<!tpu.dma_semaphore, #tpu.memory_space<semaphore_mem>>)
      %dma_wait3A = tpu.memref_slice %arg2[%multiple_of3A] : memref<100000000xf32, #tpu.memory_space<hbm>> -> memref<40000xf32, #tpu.memory_space<hbm>>
      %dma_wait3A_48 = tpu.memref_slice %arg2[%multiple_of3A] : memref<100000000xf32, #tpu.memory_space<hbm>> -> memref<40000xf32, #tpu.memory_space<hbm>>
      tpu.wait_dma2 semaphore(%arg6 : memref<!tpu.dma_semaphore, #tpu.memory_space<semaphore_mem>>) src(%dma_wait3A_48 : memref<40000xf32, #tpu.memory_space<hbm>>) dst(%arg4 : memref<40000xf32, #tpu.memory_space<vmem>>)
      %scan3A_49 = arith.constant 0 : i32
      %scan3A_50 = arith.constant 312 : i32
      %scan3A_51 = arith.addi %scan3A_49, %scan3A_50 : i32
      %scan3A_52 = arith.constant 1 : i32
      %scan3A_53:8 = scf.for %scan3A_55 = %scan3A_49 to %scan3A_51 step %scan3A_52 iter_args(%scan3A_56 = %scan3A_36, %scan3A_57 = %scan3A_37, %scan3A_58 = %scan3A_38, %scan3A_59 = %scan3A_39, %scan3A_60 = %scan3A_40, %scan3A_61 = %scan3A_41, %scan3A_62 = %scan3A_42, %scan3A_63 = %scan3A_43) -> (vector<16xf32>, vector<16xf32>, vector<16xf32>, vector<16xf32>, vector<16xf32>, vector<16xf32>, vector<16xf32>, vector<16xf32>)  : i32 {
        %mul3A_64 = arith.constant 128 : i32
        %mul3A_65 = arith.muli %scan3A_55, %mul3A_64 : i32
        %add3A_66 = arith.constant 0 : i32
        %add3A_67 = arith.addi %mul3A_65, %add3A_66 : i32
        %get3A = arith.index_cast %add3A_67 : i32 to index
        %get3A_68 = tpu.vector_load %arg4[%get3A] {strides = array<i32>} : memref<40000xf32, #tpu.memory_space<vmem>>, vector<16xf32>,
        %get3A_69 = vector.shape_cast %get3A_68 : vector<16xf32> to vector<16xf32>
        %add3A_70 = arith.addf %scan3A_56, %get3A_69 : vector<16xf32>
        %add3A_71 = arith.constant 16 : i32
        %add3A_72 = arith.addi %mul3A_65, %add3A_71 : i32
        %get3A_73 = arith.index_cast %add3A_72 : i32 to index
        %get3A_74 = tpu.vector_load %arg4[%get3A_73] {strides = array<i32>} : memref<40000xf32, #tpu.memory_space<vmem>>, vector<16xf32>,
        %get3A_75 = vector.shape_cast %get3A_74 : vector<16xf32> to vector<16xf32>
        %add3A_76 = arith.addf %scan3A_57, %get3A_75 : vector<16xf32>
        %add3A_77 = arith.constant 32 : i32
        %add3A_78 = arith.addi %mul3A_65, %add3A_77 : i32
        %get3A_79 = arith.index_cast %add3A_78 : i32 to index
        %get3A_80 = tpu.vector_load %arg4[%get3A_79] {strides = array<i32>} : memref<40000xf32, #tpu.memory_space<vmem>>, vector<16xf32>,
        %get3A_81 = vector.shape_cast %get3A_80 : vector<16xf32> to vector<16xf32>
        %add3A_82 = arith.addf %scan3A_58, %get3A_81 : vector<16xf32>
        %add3A_83 = arith.constant 48 : i32
        %add3A_84 = arith.addi %mul3A_65, %add3A_83 : i32
        %get3A_85 = arith.index_cast %add3A_84 : i32 to index
        %get3A_86 = tpu.vector_load %arg4[%get3A_85] {strides = array<i32>} : memref<40000xf32, #tpu.memory_space<vmem>>, vector<16xf32>,
        %get3A_87 = vector.shape_cast %get3A_86 : vector<16xf32> to vector<16xf32>
        %add3A_88 = arith.addf %scan3A_59, %get3A_87 : vector<16xf32>
        %add3A_89 = arith.constant 64 : i32
        %add3A_90 = arith.addi %mul3A_65, %add3A_89 : i32
        %get3A_91 = arith.index_cast %add3A_90 : i32 to index
        %get3A_92 = tpu.vector_load %arg4[%get3A_91] {strides = array<i32>} : memref<40000xf32, #tpu.memory_space<vmem>>, vector<16xf32>,
        %get3A_93 = vector.shape_cast %get3A_92 : vector<16xf32> to vector<16xf32>
        %add3A_94 = arith.addf %scan3A_60, %get3A_93 : vector<16xf32>
        %add3A_95 = arith.constant 80 : i32
        %add3A_96 = arith.addi %mul3A_65, %add3A_95 : i32
        %get3A_97 = arith.index_cast %add3A_96 : i32 to index
        %get3A_98 = tpu.vector_load %arg4[%get3A_97] {strides = array<i32>} : memref<40000xf32, #tpu.memory_space<vmem>>, vector<16xf32>,
        %get3A_99 = vector.shape_cast %get3A_98 : vector<16xf32> to vector<16xf32>
        %add3A_100 = arith.addf %scan3A_61, %get3A_99 : vector<16xf32>
        %add3A_101 = arith.constant 96 : i32
        %add3A_102 = arith.addi %mul3A_65, %add3A_101 : i32
        %get3A_103 = arith.index_cast %add3A_102 : i32 to index
        %get3A_104 = tpu.vector_load %arg4[%get3A_103] {strides = array<i32>} : memref<40000xf32, #tpu.memory_space<vmem>>, vector<16xf32>,
        %get3A_105 = vector.shape_cast %get3A_104 : vector<16xf32> to vector<16xf32>
        %add3A_106 = arith.addf %scan3A_62, %get3A_105 : vector<16xf32>
        %add3A_107 = arith.constant 112 : i32
        %add3A_108 = arith.addi %mul3A_65, %add3A_107 : i32
        %get3A_109 = arith.index_cast %add3A_108 : i32 to index
        %get3A_110 = tpu.vector_load %arg4[%get3A_109] {strides = array<i32>} : memref<40000xf32, #tpu.memory_space<vmem>>, vector<16xf32>,
        %get3A_111 = vector.shape_cast %get3A_110 : vector<16xf32> to vector<16xf32>
        %add3A_112 = arith.addf %scan3A_63, %get3A_111 : vector<16xf32>
        scf.yield %add3A_70, %add3A_76, %add3A_82, %add3A_88, %add3A_94, %add3A_100, %add3A_106, %add3A_112 : vector<16xf32>, vector<16xf32>, vector<16xf32>, vector<16xf32>, vector<16xf32>, vector<16xf32>, vector<16xf32>, vector<16xf32>
      }
      %scan3A_54 = arith.constant 312 : i32
      scf.yield %scan3A_53#0, %scan3A_53#1, %scan3A_53#2, %scan3A_53#3, %scan3A_53#4, %scan3A_53#5, %scan3A_53#6, %scan3A_53#7 : vector<16xf32>, vector<16xf32>, vector<16xf32>, vector<16xf32>, vector<16xf32>, vector<16xf32>, vector<16xf32>, vector<16xf32>
    }
    %scan3A_24 = arith.constant 15 : i32
    %add3A_25 = arith.addf %scan3A_23#0, %scan3A_23#1 : vector<16xf32>
    %add3A_26 = arith.addf %add3A_25, %scan3A_23#2 : vector<16xf32>
    %add3A_27 = arith.addf %add3A_26, %scan3A_23#3 : vector<16xf32>
    %add3A_28 = arith.addf %add3A_27, %scan3A_23#4 : vector<16xf32>
    %add3A_29 = arith.addf %add3A_28, %scan3A_23#5 : vector<16xf32>
    %add3A_30 = arith.addf %add3A_29, %scan3A_23#6 : vector<16xf32>
    %add3A_31 = arith.addf %add3A_30, %scan3A_23#7 : vector<16xf32>
    %swap3A = arith.constant 0 : index
    %swap3A_32 = tpu.vector_load %arg5[%swap3A] {strides = array<i32>} : memref<16xf32, #tpu.memory_space<vmem>>, vector<16xf32>,
    %swap3A_33 = vector.shape_cast %swap3A_32 : vector<16xf32> to vector<16xf32>
    %swap3A_34 = vector.shape_cast %add3A_31 : vector<16xf32> to vector<16xf32>
    tpu.vector_store %arg5[%swap3A], %swap3A_34 {strides = array<i32>} : memref<16xf32, #tpu.memory_space<vmem>>, vector<16xf32>,
    "tpu.region"() ({
      %run_scoped3A = tpu.sem_alloc : memref<!tpu.dma_semaphore, #tpu.memory_space<semaphore_mem>>
      %dma_start3A = arith.constant 0 : i32
      %dma_start3A_35 = tpu.memref_slice %arg3[%add3A, %dma_start3A] : memref<32x16xf32, #tpu.memory_space<hbm>> -> memref<1x16xf32, #tpu.memory_space<hbm>>
      %dma_start3A_36 = tpu.memref_squeeze %dma_start3A_35 : memref<1x16xf32, #tpu.memory_space<hbm>> -> memref<16xf32, #tpu.memory_space<hbm>>
      %dma_start3A_37 = arith.constant 0 : i32
      %dma_start3A_38 = tpu.memref_slice %arg3[%add3A, %dma_start3A_37] : memref<32x16xf32, #tpu.memory_space<hbm>> -> memref<1x16xf32, #tpu.memory_space<hbm>>
      %dma_start3A_39 = tpu.memref_squeeze %dma_start3A_38 : memref<1x16xf32, #tpu.memory_space<hbm>> -> memref<16xf32, #tpu.memory_space<hbm>>
      tpu.enqueue_dma source(%arg5 : memref<16xf32, #tpu.memory_space<vmem>>) target(%dma_start3A_39 : memref<16xf32, #tpu.memory_space<hbm>>) target_semaphore(%run_scoped3A : memref<!tpu.dma_semaphore, #tpu.memory_space<semaphore_mem>>)
      %dma_wait3A = arith.constant 0 : i32
      %dma_wait3A_40 = tpu.memref_slice %arg3[%add3A, %dma_wait3A] : memref<32x16xf32, #tpu.memory_space<hbm>> -> memref<1x16xf32, #tpu.memory_space<hbm>>
      %dma_wait3A_41 = tpu.memref_squeeze %dma_wait3A_40 : memref<1x16xf32, #tpu.memory_space<hbm>> -> memref<16xf32, #tpu.memory_space<hbm>>
      %dma_wait3A_42 = arith.constant 0 : i32
      %dma_wait3A_43 = tpu.memref_slice %arg3[%add3A, %dma_wait3A_42] : memref<32x16xf32, #tpu.memory_space<hbm>> -> memref<1x16xf32, #tpu.memory_space<hbm>>
      %dma_wait3A_44 = tpu.memref_squeeze %dma_wait3A_43 : memref<1x16xf32, #tpu.memory_space<hbm>> -> memref<16xf32, #tpu.memory_space<hbm>>
      tpu.wait_dma2 semaphore(%run_scoped3A : memref<!tpu.dma_semaphore, #tpu.memory_space<semaphore_mem>>) src(%arg5 : memref<16xf32, #tpu.memory_space<vmem>>) dst(%dma_wait3A_44 : memref<16xf32, #tpu.memory_space<hbm>>)
      tpu.yield
    }) : () -> ()
    return
  }
}

module attributes {stable_mosaic.version = 14 : i64} {
  func.func @_tc_probe(%arg0: i32, %arg1: memref<400x10000xf32, #tpu.memory_space<vmem>>, %arg2: memref<400x128xf32, #tpu.memory_space<vmem>>) attributes {dimension_semantics = [#tpu.dimension_semantics<arbitrary>], iteration_bounds = array<i64: 20>, scalar_prefetch = 0 : i64, scratch_operands = 0 : i64, tpu.core_type = #tpu.core_type<tc>, window_params = [{transform_indices = @transform_0, window_bounds = array<i64: 400, 10000>}, {transform_indices = @transform_1, window_bounds = array<i64: 400, 128>}]} {
    %get3A = arith.constant 0 : index
    %get3A_0 = arith.constant 0 : index
    %get3A_1 = vector.load %arg1[%get3A, %get3A_0] : memref<400x10000xf32, #tpu.memory_space<vmem>>, vector<400x10000xf32>
    %reduce_sum3A = arith.constant dense<0.000000e+00> : vector<400xf32>
    %reduce_sum3A_2 = vector.multi_reduction <add>, %get3A_1, %reduce_sum3A [1] : vector<400x10000xf32> to vector<400xf32>
    %broadcast_in_dim3A = vector.shape_cast %reduce_sum3A_2 : vector<400xf32> to vector<400x1xf32>
    %broadcast_in_dim3A_3 = vector.shape_cast %broadcast_in_dim3A : vector<400x1xf32> to vector<400x1xf32>
    %broadcast_in_dim3A_4 = vector.broadcast %broadcast_in_dim3A_3 : vector<400x1xf32> to vector<400x128xf32>
    %swap3A = arith.constant 0 : index
    %swap3A_5 = arith.constant 0 : index
    %swap3A_6 = vector.load %arg2[%swap3A, %swap3A_5] : memref<400x128xf32, #tpu.memory_space<vmem>>, vector<400x128xf32>
    tpu.vector_store %arg2[%swap3A, %swap3A_5], %broadcast_in_dim3A_4 {strides = array<i32>} : memref<400x128xf32, #tpu.memory_space<vmem>>, vector<400x128xf32>,
    return
  }
  func.func @transform_0(%arg0: i32) -> (i32, i32) {
    %c0_i32 = arith.constant 0 : i32
    %c0_i32_0 = arith.constant 0 : i32
    return %arg0, %c0_i32 : i32, i32
  }
  func.func @transform_1(%arg0: i32) -> (i32, i32) {
    %c0_i32 = arith.constant 0 : i32
    %c0_i32_0 = arith.constant 0 : i32
    return %arg0, %c0_i32 : i32, i32
  }
}

</mosaic_0001>

<sc_bundles>
// kernel: kernel.4.cloned.1.call-start
scs
__scs_entry_jumppad:
0x0: {  	(pc) =	sbr.rel $0x88, $3  }
0x1: {  	(tag) =	ssettag $0x0;
	lr =	simm.s32 $0x1  }
0x2: {  	[smem:$0x3FA0] =	sst lr;
	_ =	strace $0xD0000000  }
0x3: {  	_ = 	snop  }
0x4: {  	_ = 	snop  }
0x5: {  	_ = 	snop  }
0x6: {  	_ = 	snop  }
0x7: {  	_ = 	snop  }
__scs_overlays_trampoline_lowered:
0x8: {  	[smem:$0x3FAF] =	sst s0  }
0x9: {  	[smem:$0x3FB0] =	sst s1  }
0xa: {  	[smem:$0x3FB1] =	sst s2  }
0xb: {  	[smem:$0x3FB2] =	sst s3  }
0xc: {  	[smem:$0x3FB3] =	sst s4  }
0xd: {  	[smem:$0x3FB4] =	sst s5  }
0xe: {  	[smem:$0x3FB5] =	sst s6  }
0xf: {  	[smem:$0x3FB6] =	sst s7  }
0x10: {  	[smem:$0x3FB7] =	sst s8  }
0x11: {  	[smem:$0x3FB8] =	sst s9;
	s0 =	simm.s32 @!p0 $0x0  }
0x12: {  	s1 =	sld [smem:$0x3F9E];
	s0 =	simm.s32 @p0 $0x1  }
0x13: {  	[smem:$0x3FB9] =	sst s0;
	s0 =	simm.s32 @!p1 $0x0  }
0x14: {  	s2 =	sld [smem:$0x3F9D];
	s0 =	simm.s32 @p1 $0x1  }
0x15: {  	[smem:$0x3FBA] =	sst s0;
	s0 =	simm.s32 @!p2 $0x0  }
0x16: {  	s3 =	sld [smem:$0x3FDB];
	s0 =	simm.s32 @p2 $0x1  }
0x17: {  	s4 =	simm.s32 $0x1BF5;
	[smem:$0x3FBC] =	sst s0  }
0x18: {  	s0 =	sld [smem:$0x3F9F];
	_ =	swait.ge [sflag:s4], $0x0  }
0x19: {  	s7 =	sld [smem:$0x3FA0]  }
0x1a: {  	s8 =	sadd.s32 $0xFFFFE003, lr  }
0x1b: {  	s9 =	sadd.s32 $0xFFFFFEF7, lr;
	s5 =	simm.s32 $0xFFFFFFFF;
	p2 =	slt.u32 s8, $0xFFFFF086  }
0x1c: {  	p1 =	slt.u32 s9, $0xF7A;
	s5 =	simm.s32 @!p2 $0x0  }
0x1d: {  	s5 =	simm.s32 @p1 $0x1;
	p0 =	seq.s32 s7, s2  }
0x1e: {  	s7 =	smul.u32 @!p0 $0xF7A, s2;
	p2 =	seq.s32 @!p0 s5, $0x0  }
0x1f: {  	s9 =	smul.u32 $0xF7A, s1;
	s8 =	simm.s32 @!p0 $0x1BF5;
	p2 =	por !p2, p0  }
0x20: {  	[sflag:s8] =	ssyncset.s32 @!p0 $0xFFFFF086;
	s6 =	sadd.s32 @!p0 s3, s7;
	s7 =	simm.s32 @!p0 $0x108  }
0x21: {  	s3 =	sadd.s32 s3, s9;
	s6 =	sadd.s32 @!p0 $0x88, s6;
	s7 =	simm.s32 @p2 $0x1082  }
0x22: {  	[simem:s7], [sflag:s8] =	dma.local @!p0 [hbm:s6], $0xF7A  }
0x23: {  	s9 =	sor.u32 $0xD0000000, s2;
	s6 =	simm.s32 $0x108;
	_ =	swait.ge @!p0 [sflag:s8], $0x0  }
0x24: {  	s3 =	sadd.s32 $0x88, s3;
	s6 =	simm.s32 @!p1 $0x1082;
	[sflag:s4] =	ssyncset.s32 $0xFFFFF086  }
0x25: {  	[simem:s6], [sflag:s4] =	dma.local [hbm:s3], $0xF7A  }
0x26: {  	[smem:$0x3FA0] =	sst s1;
	(tag) =	ssettag s2;
	_ =	strace s9  }
0x27: {  	s1 =	sld [smem:$0x3FB0]  }
0x28: {  	s2 =	sld [smem:$0x3FB1]  }
0x29: {  	s4 =	sld [smem:$0x3FB3]  }
0x2a: {  	p0 =	seq.s32 s5, $0x0;
	s5 =	sld [smem:$0x3FB4]  }
0x2b: {  	s6 =	sld [smem:$0x3FB5]  }
0x2c: {  	s7 =	sld [smem:$0x3FB6]  }
0x2d: {  	s3 =	simm.s32 $0x108;
	s8 =	sld [smem:$0x3FB7]  }
0x2e: {  	s3 =	simm.s32 @!p0 $0x1082;
	s9 =	sld [smem:$0x3FB8]  }
0x2f: {  	lr =	sadd.s32 s0, s3;
	s0 =	sld [smem:$0x3FAF]  }
0x30: {  	s3 =	sld [smem:$0x3FB2]  }
0x31: {  	[smem:$0x3FBB] =	sst s10  }
0x32: {  	s10 =	sld [smem:$0x3FB9];
	_ =	sdelay $0x3  }
0x33: {  	p0 =	seq.s32 s10, $0x1;
	s10 =	sld [smem:$0x3FBB];
	_ =	sdelay $0x3  }
0x34: {  	[smem:$0x3FBB] =	sst s10  }
0x35: {  	s10 =	sld [smem:$0x3FBA];
	_ =	sdelay $0x3  }
0x36: {  	p1 =	seq.s32 s10, $0x1;
	s10 =	sld [smem:$0x3FBB];
	_ =	sdelay $0x3  }
0x37: {  	[smem:$0x3FBB] =	sst s10  }
0x38: {  	s10 =	sld [smem:$0x3FBC]  }
0x39: {  	_ = 	snop;
	(pc) =	sbr.ind lr, $3  }
0x3a: {  	_ = 	snop  }
0x3b: {  	_ = 	snop  }
0x3c: {  	p2 =	seq.s32 s10, $0x1;
	s10 =	sld [smem:$0x3FBB]  }
0x3d: {  	_ =	shalt  }
0x3e: {  	_ =	shalt  }
0x3f: {  	_ =	shalt  }
0x40: {  	_ =	shalt  }
0x41: {  	_ =	shalt  }
0x42: {  	_ =	shalt  }
0x43: {  	_ =	shalt  }
0x44: {  	_ =	shalt  }
0x45: {  	_ =	shalt  }
0x46: {  	_ =	shalt  }
0x47: {  	_ =	shalt  }
0x48: {  	_ =	shalt  }
0x49: {  	_ =	shalt  }
0x4a: {  	_ =	shalt  }
0x4b: {  	_ =	shalt  }
0x4c: {  	_ =	shalt  }
0x4d: {  	_ =	shalt  }
0x4e: {  	_ =	shalt  }
0x4f: {  	_ =	shalt  }
0x50: {  	_ =	shalt  }
0x51: {  	_ =	shalt  }
0x52: {  	_ =	shalt  }
0x53: {  	_ =	shalt  }
0x54: {  	_ =	shalt  }
0x55: {  	_ =	shalt  }
0x56: {  	_ =	shalt  }
0x57: {  	_ =	shalt  }
0x58: {  	_ =	shalt  }
0x59: {  	_ =	shalt  }
0x5a: {  	_ =	shalt  }
0x5b: {  	_ =	shalt  }
0x5c: {  	_ =	shalt  }
0x5d: {  	_ =	shalt  }
0x5e: {  	_ =	shalt  }
0x5f: {  	_ =	shalt  }
0x60: {  	_ =	shalt  }
0x61: {  	_ =	shalt  }
0x62: {  	_ =	shalt  }
0x63: {  	_ =	shalt  }
0x64: {  	_ =	shalt  }
0x65: {  	_ =	shalt  }
0x66: {  	_ =	shalt  }
0x67: {  	_ =	shalt  }
0x68: {  	_ =	shalt  }
0x69: {  	_ =	shalt  }
0x6a: {  	_ =	shalt  }
0x6b: {  	_ =	shalt  }
0x6c: {  	_ =	shalt  }
0x6d: {  	_ =	shalt  }
0x6e: {  	_ =	shalt  }
0x6f: {  	_ =	shalt  }
0x70: {  	_ =	shalt  }
0x71: {  	_ =	shalt  }
0x72: {  	_ =	shalt  }
0x73: {  	_ =	shalt  }
0x74: {  	_ =	shalt  }
0x75: {  	_ =	shalt  }
0x76: {  	_ =	shalt  }
0x77: {  	_ =	shalt  }
0x78: {  	_ =	shalt  }
0x79: {  	_ =	shalt  }
0x7a: {  	_ =	shalt  }
0x7b: {  	_ =	shalt  }
0x7c: {  	_ =	shalt  }
0x7d: {  	_ =	shalt  }
0x7e: {  	_ =	shalt  }
0x7f: {  	_ =	shalt  }
0x80: {  	_ =	shalt  }
0x81: {  	_ =	shalt  }
0x82: {  	_ =	shalt  }
0x83: {  	_ =	shalt  }
0x84: {  	_ =	shalt  }
0x85: {  	_ =	shalt  }
0x86: {  	_ =	shalt  }
0x87: {  	_ =	shalt  }
.Lfunc_end0:
.L_simem_size_0:
called_computation_lowered:
.L_overlay_start_0:
0x88: {  	s2 =	sld [smem:$0x3FD9]  }
0x89: {  	s3 =	sld [smem:$0x3FFE];
	_ =	sdelay $0x1  }
0x8a: {  	s1 =	srdreg.scid  }
0x8b: {  	s0 =	sand.u32 $0x1, s1  }
0x8c: {  	s16 =	sshll.u32 s0, $0xA;
	s2 =	sadd.s32 s3, s2  }
0x8d: {  	s2 =	sadd.s32 s2, s16  }
0x8e: {  	[smem:$0x3FC7] =	sst s2  }
0x8f: {  	_ = 	snop  }
0x90: {  	(tm) =	ssettm $0x1  }
0x91: {  	s17 =	sld [smem:$0x3FFB];
	_ =	sdelay $0x3  }
0x92: {  	_ =	strace s17  }
0x93: {  	s2 =	sld [smem:$0x3FFC];
	_ =	sdelay $0x3  }
0x94: {  	_ =	strace s2  }
0x95: {  	s2 =	sld [smem:$0x3FFD];
	_ =	sdelay $0x3  }
0x96: {  	_ =	strace s2  }
0x97: {  	_ =	strace $0x8FFFFFFF  }
0x98: {  	s18 =	sld [smem:$0x3FDB];
	_ =	sdelay $0x1  }
0x99: {  	s19 =	simm.s32 $_scs_section_size  }
0x9a: {  	s4 =	simm.s32 $_size__tile_overlayer_lowered;
	s5 =	simm.s32 $_tile_overlayer_lowered  }
0x9b: {  	s22 =	simm.s32 $0x1BFF;
	s21 =	sshll.u32 s5, $0x1;
	s2 =	sadd.s32 s19, s18  }
0x9c: {  	s6 =	simm.s32 $0x0;
	s20 =	sshll.u32 s4, $0x1;
	s4 =	sadd.s32 s21, s2  }
0x9d: {  	[timem:s6], [sflag:s22] =	dma.local [hbm:s4], s20  }
0x9e: {  	_ =	swait.ge [sflag:s22], s20  }
0x9f: {  	s3 =	ssub.s32 $0x0, s20;
	[sflag:s22] =	ssyncset.done $0x0  }
0xa0: {  	[sflag:s22] =	ssyncadd.s32 s3;
	_ =	sdelay $0x1  }
0xa1: {  	s23 =	simm.s32 $0x1B8B  }
0xa2: {  	_ =	swait.ge [sflag:s23], $0x1  }
0xa3: {  	[sflag:s23] =	ssyncset.done $0x0  }
0xa4: {  	s25 =	simm.s32 $0x1B8E;
	s24 =	sld [smem:$0x3FFE];
	[sflag:s23] =	ssyncadd.s32 $0xFFFFFFFF  }
0xa5: {  	s26 =	simm.s32 $execute0_lowered;
	[smem:$0x3FD2] =	sst s25  }
0xa6: {  	s4 =	sshll.u32 s26, $0x1;
	_ =	strace $0x80000046;
	[dreg:$0x1] =	wrdreg $0xFFFFFFFF  }
0xa7: {  	s28 =	simm.s32 $_size_execute0_lowered;
	s2 =	sadd.s32 s2, s4;
	[dreg:$0x0] =	wrdreg $0x0  }
0xa8: {  	s4 =	sshll.u32 s28, $0x1;
	[dreg:$0x2] =	wrdreg s2  }
0xa9: {  	[dreg:$0x3] =	wrdreg s4  }
0xaa: {  	[dreg:$0x4] =	wrdreg $0xC0  }
0xab: {  	_ =	task [dreg:s6], $0x5FFFF  }
0xac: {  	[dreg:$0x1] =	wrdreg $0xFFFFFFFF  }
0xad: {  	[dreg:$0x0] =	wrdreg $0x60  }
0xae: {  	[dreg:$0x2] =	wrdreg s24  }
0xaf: {  	[dreg:$0x3] =	wrdreg $0x9  }
0xb0: {  	_ =	task.clear_ibuf [dreg:s6], $0x4FFFF;
	_ =	strace $0x90000046  }
0xb1: {  	s29 =	simm.s32 $0x9;
	_ =	strace $0x80000048  }
0xb2: {  	_ =	swait.ge [sflag:s29], $0x1  }
0xb3: {  	[sflag:s29] =	ssyncadd.s32 $0xFFFFFFFF  }
0xb4: {  	_ =	strace $0x90000048  }
0xb5: {  	_ =	sfence  }
0xb6: {  	s30 =	sld [smem:$0x0];
	_ =	sdelay $0x2  }
0xb7: {  	s31 =	sshll.u32 s1, $0xD;
	s1 =	sshrl.u32 s1, $0x2  }
0xb8: {  	s3 =	sand.u32 $0x4000, s31;
	s1 =	sadd.s32 s1, s30  }
0xb9: {  	s0 =	sor.u32 s3, s0;
	s1 =	sshll.u32 s1, $0x11  }
0xba: {  	s0 =	sor.u32 s1, s0  }
0xbb: {  	s0 =	sadd.s32 $0x8F2B, s0  }
0xbc: {  	[sflag:s0] =	ssyncadd.remote.s32 $0x1  }
0xbd: {  	_ =	sfence.sel $0xFFFF  }
0xbe: {  	[dreg:$0x0] =	wrdreg $0xFFFFFFFF;
	(pc) =	sbr.abs _section_cstart, $3  }
0xbf: {  	[dreg:$0x1] =	wrdreg $0xFFFFFFFF  }
0xc0: {  	_ =	task.clear_ibuf [dreg:s6], $0x2FFFF;
	_ =	strace $0x9FFFFFFF  }
0xc1: {  	(tm) =	ssettm $0x7FFFFFFF  }
tec
execute0_lowered:
.L_overlay_start_1:
0x0: {  	(tag) =	ssettag $0x1  }
0x1: {  	s4 =	rddreg [dreg:$0x0]  }
0x2: {  	s0 =	rddreg [dreg:$0x1]  }
0x3: {  	s3 =	srdreg.scid;
	s1 =	stileid.u32  }
0x4: {  	s2 =	simm.s32 $0x0;
	s9 =	simm.s32 $0x2;
	s10 =	simm.s32 $0x0  }
0x5: {  	s3 =	sand.u32 $0x1, s3;
	s5 =	sshll.u32 s1, $0x1;
	[smem:$0x7FF] =	sst s2  }
0x6: {  	s14 =	simm.s32 $0x0;
	s5 =	sor.u32 s3, s5;
	_ =	strace $0x80000047  }
0x7: {  	s6 =	ssub.s32 $0x2, s3;
	s7 =	smul.u32 $0x98968, s5;
	s5 =	sshll.u32 s5, $0x4  }
0x8: {  	s3 =	sadd.s32 $0x400, s4;
	s8 =	sshrl.u32 s6, $0x1;
	s5 =	sadd.s32 s5, s4  }
0x9: {  	s6 =	ssub.s32 s6, s8;
	s8 =	simm.s32 $0x9C80;
	s4 =	sadd.s32 $0x4C4B400, s7  }
0xa: {  	s5 =	sadd.s32 $0xBEC200, s5;
	s6 =	smax.u32 s6, $0x1;
	s7 =	simm.s32 $0x1  }
.LBB2_1:
0xb: {  	v5 =	vimm.f32 $0.0e+00;
	v0 =	vimm.f32 $0.0e+00  }
0xc: {  	v1 =	vimm.f32 $0.0e+00;
	v2 =	vimm.f32 $0.0e+00;
	v3 =	vimm.f32 $0.0e+00  }
0xd: {  	v4 =	vimm.f32 $0.0e+00;
	v7 =	vimm.f32 $0.0e+00;
	v6 =	vimm.f32 $0.0e+00;
	s11 =	simm.s32 $0x0  }
.LBB2_2:
0xe: {  	s12 =	smul.u32 $0x9C40, s11;
	_ =	sdelay $0x1  }
0xf: {  	s12 =	sadd.s32 s12, s4  }
0x10: {  	s12 =	sshrl.u32 s12, $0x3  }
0x11: {  	s13 =	simm.s32 $0x0;
	s12 =	sadd.s32 s3, s12  }
0x12: {  	[tilespmem:s13], [sflag:$0x1] =	stream.linear.gather [hbm4b:s12+s13], $0x9C40, $0x38;
	[tilespmem:$0x9D00] =	vst v63  }
0x13: {  	_ =	swait.ge [sflag:s7], $0x9C40  }
0x14: {  	[sflag:s7] =	ssyncset.done $0x0  }
0x15: {  	[sflag:s7] =	ssyncadd.s32 $0xFFFF63C0  }
0x16: {  	v11 =	vld [tilespmem:s14+$0x70]  }
0x17: {  	v12 =	vld [tilespmem:s14+$0x0]  }
0x18: {  	v13 =	vld [tilespmem:s14+$0x10]  }
0x19: {  	v10 =	vld [tilespmem:s14+$0x20]  }
0x1a: {  	v8 =	vld [tilespmem:s14+$0x30]  }
0x1b: {  	v9 =	vld [tilespmem:s14+$0x40]  }
0x1c: {  	v5 =	vadd.f32 v11, v5;
	v11 =	vld [tilespmem:s14+$0x50]  }
0x1d: {  	s12 =	simm.s32 $0x80;
	s13 =	simm.s32 $0x400;
	v6 =	vadd.f32 v12, v6;
	v7 =	vadd.f32 v13, v7;
	v12 =	vld [tilespmem:s14+$0x60]  }
.LBB2_3:
0x1e: {  	p0 =	sne.s32 s13, $0x26E00;
	v13 =	vld [tilespmem:s12+$0x70];
	v4 =	vadd.f32 v10, v4  }
0x1f: {  	v14 =	vld [tilespmem:s12+$0x0];
	v3 =	vadd.f32 v8, v3  }
0x20: {  	v15 =	vld [tilespmem:s12+$0x10];
	v2 =	vadd.f32 v9, v2  }
.Ltmp0:
0x21: {  	v10 =	vld [tilespmem:s12+$0x20];
	v1 =	vadd.f32 v11, v1;
	(pc) =	sbr.rel @p0 .LBB2_3-.Ltmp0, $4  }
0x22: {  	v8 =	vld [tilespmem:s12+$0x30];
	v0 =	vadd.f32 v12, v0  }
0x23: {  	v9 =	vld [tilespmem:s12+$0x40];
	v5 =	vadd.f32 v13, v5  }
0x24: {  	v6 =	vadd.f32 v14, v6;
	v11 =	vld [tilespmem:s12+$0x50]  }
0x25: {  	v7 =	vadd.f32 v15, v7;
	v12 =	vld [tilespmem:s12+$0x60];
	s12 =	sshra.s32 s13, $0x2;
	s13 =	sadd.s32 $0x200, s13  }
0x26: {  	v13 =	vld [tilespmem:s12+$0x70]  }
0x27: {  	v14 =	vld [tilespmem:s12+$0x0]  }
0x28: {  	v15 =	vld [tilespmem:s12+$0x10]  }
0x29: {  	v16 =	vld [tilespmem:s12+$0x20]  }
0x2a: {  	v17 =	vld [tilespmem:s12+$0x30]  }
0x2b: {  	v18 =	vld [tilespmem:s12+$0x40]  }
0x2c: {  	v4 =	vadd.f32 v10, v4;
	v63 =	vld [tilespmem:s12+$0x50];
	s11 =	sadd.s32 $0x1, s11  }
0x2d: {  	v3 =	vadd.f32 v8, v3;
	v8 =	vld [tilespmem:s12+$0x60];
	p0 =	sne.s32 s11, $0xF;
	v2 =	vadd.f32 v9, v2  }
.Ltmp1:
0x2e: {  	v1 =	vadd.f32 v11, v1;
	v0 =	vadd.f32 v12, v0;
	(pc) =	sbr.rel @p0 .LBB2_2-.Ltmp1, $4  }
0x2f: {  	v5 =	vadd.f32 v13, v5;
	v6 =	vadd.f32 v14, v6  }
0x30: {  	v7 =	vadd.f32 v15, v7;
	v4 =	vadd.f32 v16, v4  }
0x31: {  	v3 =	vadd.f32 v17, v3;
	v2 =	vadd.f32 v18, v2  }
0x32: {  	v1 =	vadd.f32 v63, v1;
	v0 =	vadd.f32 v8, v0  }
0x33: {  	v6 =	vadd.f32 v7, v6;
	_ =	sdelay $0x1  }
0x34: {  	v4 =	vadd.f32 v4, v6;
	_ =	sdelay $0x1  }
0x35: {  	v3 =	vadd.f32 v3, v4;
	_ =	sdelay $0x1  }
0x36: {  	v2 =	vadd.f32 v2, v3;
	_ =	sdelay $0x1  }
0x37: {  	v1 =	vadd.f32 v1, v2;
	_ =	sdelay $0x1  }
0x38: {  	v0 =	vadd.f32 v0, v1;
	_ =	sdelay $0x1  }
0x39: {  	s10 =	sadd.s32 $0x1, s10;
	v0 =	vadd.f32 v5, v0  }
0x3a: {  	p0 =	sne.s32 s10, s6  }
.Ltmp2:
0x3b: {  	[tilespmem:$0x9C80] =	vst v0;
	(pc) =	sbr.rel @p0 .LBB2_1-.Ltmp2, $4  }
0x3c: {  	[hbm4b:s5+s2] =	stream.linear.scatter [tilespmem:s8], [sflag:$0x2], $0x80, $0x38;
	[tilespmem:$0x9D00] =	vst v63  }
0x3d: {  	_ =	swait.ge [sflag:s9], $0x80  }
0x3e: {  	[sflag:s9] =	ssyncset.done $0x0  }
0x3f: {  	[sflag:s9] =	ssyncadd.s32 $0xFFFFFF80  }
0x40: {  	_ =	sfence.sel $0x180000  }
0x41: {  	[bflag:$0x0] =	sbarrier.arrive $0xFFFF  }
0x42: {  	p0 =	sne.s32 s1, $0x0;
	_ =	strace $0x90000047  }
0x43: {  	s0 =	sadd.s32 @!p0 $0x100000, s0;
	[bflag:$0x2] =	sbarrier.arrive $0xFFFF  }
0x44: {  	[sflag:s0] =	ssyncadd.tile.s32 @!p0 $0x1;
	_ =	shalt  }
.Lfunc_end2:
_tile_overlayer_lowered:
.L_overlay_start_2:
0x45: {  	(tag) =	ssettag $0x2  }
0x46: {  	s0 =	rddreg [dreg:$0x0];
	s2 =	stileid.u32  }
0x47: {  	s1 =	rddreg [dreg:$0x1];
	p0 =	sne.s32 s2, $0x0  }
0x48: {  	s3 =	rddreg [dreg:$0x2];
	[bflag:$0x3] =	sbarrier.arrive $0xFFFF;
	s2 =	simm.s32 @!p0 $0x1C02  }
0x49: {  	[timem:s3], [sflag:s2] =	dma.local @!p0 [hbm:s0], s1  }
0x4a: {  	s0 =	simm.s32 @!p0 $0x2  }
0x4b: {  	_ =	swait.ge @!p0 [sflag:s0], s1  }
0x4c: {  	s1 =	ssub.s32 @!p0 $0x0, s1;
	[sflag:s0] =	ssyncset.done @!p0 $0x0  }
0x4d: {  	[sflag:s0] =	ssyncadd.s32 @!p0 s1  }
0x4e: {  	[bflag:$0x3] =	sbarrier.arrive $0xFFFF  }
0x4f: {  	_ =	shalt  }

</sc_bundles>
